<compile_context>
chip_gen: v7x
topology: tpu7x:2x2x1
jax: 0.10.2.dev20260603
libtpu: 0.0.44.dev20260713+nightly
codegen_flags: <defaults>
</compile_context>

<pallas_src>
import functools

import jax
import jax.numpy as jnp
from jax import lax
from jax.experimental import pallas as pl
from jax.experimental.pallas import tpu as pltpu
from jax.experimental.pallas import tpu_sc as plsc

_N = 100000
_D = 128
_M = 10000


_BLK = 4000

def _copy_sum_body(x_ref, out_ref, tok_ref, acc_ref):
    i = pl.program_id(0)
    blk = x_ref[...]
    out_ref[...] = blk

    @pl.when(i == 0)
    def _():
        acc_ref[...] = jnp.zeros_like(acc_ref)

    acc_ref[...] += jnp.sum(blk.reshape(_BLK // 8, 8, _D), axis=0)

    @pl.when(i == pl.num_programs(0) - 1)
    def _():
        tok_ref[...] = jnp.sum(acc_ref[...], axis=0, keepdims=True) * (1.0 / _N)


def _copy_and_mean(x):
    return pl.pallas_call(
        _copy_sum_body,
        grid=(_N // _BLK,),
        in_specs=[pl.BlockSpec((_BLK, _D), lambda i: (i, 0))],
        out_specs=[
            pl.BlockSpec((_BLK, _D), lambda i: (i, 0)),
            pl.BlockSpec((1, _D), lambda i: (0, 0)),
        ],
        out_shape=[
            jax.ShapeDtypeStruct((_N, _D), jnp.float32),
            jax.ShapeDtypeStruct((1, _D), jnp.float32),
        ],
        scratch_shapes=[pltpu.VMEM((8, _D), jnp.float32)],
    )(x)



_NC = 2
_NS = 16
_NW = _NC * _NS
_CH = 80
_NCH = 4
_PER = _CH * _NCH
_PAD = _NW * _PER

def _sc_scatter_body(
    out_hbm, tok_hbm, idx_hbm, i0, i1, i2, i3, tok_v, rows_v, isem, sem
):
    w = lax.axis_index("s") * _NC + lax.axis_index("c")
    idx_refs = (i0, i1, i2, i3)
    idx_copies = [
        pltpu.async_copy(idx_hbm.at[w, j], iv, isem)
        for j, iv in enumerate(idx_refs)
    ]
    pltpu.sync_copy(tok_hbm, tok_v)
    tvec = [tok_v[pl.ds(16 * j, 16)] for j in range(_D // 16)]

    def _fill(i, _):
        for j in range(_D // 16):
            rows_v[i, pl.ds(16 * j, 16)] = tvec[j]
        return 0

    lax.fori_loop(0, _CH, _fill, 0)
    for c in idx_copies:
        c.wait()
    copies = [
        pltpu.async_copy(rows_v, out_hbm.at[iv], sem) for iv in idx_refs
    ]
    for c in copies:
        c.wait()


@functools.cache
def _get_sc_scatter():
    mesh = plsc.VectorSubcoreMesh(
        core_axis_name="c", subcore_axis_name="s",
        num_cores=_NC, num_subcores=_NS,
    )
    return pl.kernel(
        _sc_scatter_body,
        out_type=(),
        mesh=mesh,
        scratch_types=[
            *([pltpu.VMEM((_CH,), jnp.int32)] * _NCH),
            pltpu.VMEM((_D,), jnp.float32),
            pltpu.VMEM((_CH, _D), jnp.float32),
            pltpu.SemaphoreType.DMA,
            pltpu.SemaphoreType.DMA,
        ],
    )



def kernel(x, idx_mask):
    out, tok = _copy_and_mean(x)
    idx_pad = jnp.concatenate(
        [idx_mask, jnp.broadcast_to(idx_mask[:1], (_PAD - _M,))]
    ).reshape(_NW, _NCH, _CH)
    out_ref = jax.new_ref(out)
    _get_sc_scatter()(out_ref, tok.reshape(_D), idx_pad)
    return out_ref[...]

# --- scband reference (transcript-rebuilt; emitter-appended) ---
"""Pipeline reference for scband-attr-mask-26027501814140 (READ-ONLY COPY).

The authoritative reference and input builder live on the scoring server;
editing this copy changes nothing except your own understanding.
"""

import jax, jax.numpy as jnp
import numpy as np

N = 100000
D = 128
MASK_NUM = 10000

def setup_inputs(seed: int = 0) -> dict:
    key = jax.random.key(seed)
    k1, k2 = jax.random.split(key)
    x = jax.random.normal(k1, (N, D), dtype=jnp.float32)
    idx_mask = jax.random.randint(k2, (MASK_NUM,), 0, N, dtype=jnp.int32)
    return {"x": x, "idx_mask": idx_mask}

def reference(x, idx_mask):
    # token = mean node feature over all nodes
    token = x.mean(axis=0)
    # scatter-overwrite: data.x[idx_mask] = token
    out = x.at[idx_mask].set(jnp.broadcast_to(token, (idx_mask.shape[0], x.shape[1])))
    return out

if __name__ == "__main__":
    import jax
    _d = setup_inputs()
    print(jax.jit(kernel)(*tuple(_d.values())))

</pallas_src>

<mosaic_0001>
#map = affine_map<(d0, d1) -> (0, 0)>
#map1 = affine_map<(d0, d1) -> (0)>
#map2 = affine_map<(d0, d1) -> (0, 0, 0)>
module attributes {stable_mosaic.version = 14 : i64} {
  func.func @new_body(%arg0: i32, %arg1: i32, %arg2: memref<100000x128xf32, #tpu.memory_space<hbm>>, %arg3: memref<128xf32, #tpu.memory_space<hbm>>, %arg4: memref<32x4x80xi32, #tpu.memory_space<hbm>>, %arg5: memref<100000x128xf32, #tpu.memory_space<hbm>>, %arg6: memref<80xi32, #tpu.memory_space<vmem>>, %arg7: memref<80xi32, #tpu.memory_space<vmem>>, %arg8: memref<80xi32, #tpu.memory_space<vmem>>, %arg9: memref<80xi32, #tpu.memory_space<vmem>>, %arg10: memref<128xf32, #tpu.memory_space<vmem>>, %arg11: memref<80x128xf32, #tpu.memory_space<vmem>>, %arg12: memref<!tpu.dma_semaphore, #tpu.memory_space<semaphore_mem>>, %arg13: memref<!tpu.dma_semaphore, #tpu.memory_space<semaphore_mem>>) attributes {dimension_semantics = [#tpu.dimension_semantics<core_parallel>, #tpu.dimension_semantics<subcore_parallel>], iteration_bounds = array<i64: 2, 16>, scalar_prefetch = 0 : i64, scratch_operands = 8 : i64, tpu.core_type = #tpu.core_type<sc_vector_subcore>, window_params = [{transform_indices = #map}, {transform_indices = #map1}, {transform_indices = #map2}, {transform_indices = #map}]} {
    %mul3A = arith.constant 2 : i32
    %mul3A_0 = arith.muli %arg1, %mul3A : i32
    %add3A = arith.addi %mul3A_0, %arg0 : i32
    %dma_start3A = arith.constant 0 : i32
    %dma_start3A_1 = arith.constant 0 : i32
    %dma_start3A_2 = tpu.memref_slice %arg4[%add3A, %dma_start3A, %dma_start3A_1] : memref<32x4x80xi32, #tpu.memory_space<hbm>> -> memref<1x1x80xi32, #tpu.memory_space<hbm>>
    %dma_start3A_3 = tpu.memref_squeeze %dma_start3A_2 : memref<1x1x80xi32, #tpu.memory_space<hbm>> -> memref<80xi32, #tpu.memory_space<hbm>>
    %dma_start3A_4 = arith.constant 0 : i32
    %dma_start3A_5 = tpu.memref_slice %arg4[%add3A, %dma_start3A, %dma_start3A_4] : memref<32x4x80xi32, #tpu.memory_space<hbm>> -> memref<1x1x80xi32, #tpu.memory_space<hbm>>
    %dma_start3A_6 = tpu.memref_squeeze %dma_start3A_5 : memref<1x1x80xi32, #tpu.memory_space<hbm>> -> memref<80xi32, #tpu.memory_space<hbm>>
    tpu.enqueue_dma source(%dma_start3A_6 : memref<80xi32, #tpu.memory_space<hbm>>) target(%arg6 : memref<80xi32, #tpu.memory_space<vmem>>) target_semaphore(%arg12 : memref<!tpu.dma_semaphore, #tpu.memory_space<semaphore_mem>>)
    %dma_start3A_7 = arith.constant 1 : i32
    %dma_start3A_8 = arith.constant 0 : i32
    %dma_start3A_9 = tpu.memref_slice %arg4[%add3A, %dma_start3A_7, %dma_start3A_8] : memref<32x4x80xi32, #tpu.memory_space<hbm>> -> memref<1x1x80xi32, #tpu.memory_space<hbm>>
    %dma_start3A_10 = tpu.memref_squeeze %dma_start3A_9 : memref<1x1x80xi32, #tpu.memory_space<hbm>> -> memref<80xi32, #tpu.memory_space<hbm>>
    %dma_start3A_11 = arith.constant 0 : i32
    %dma_start3A_12 = tpu.memref_slice %arg4[%add3A, %dma_start3A_7, %dma_start3A_11] : memref<32x4x80xi32, #tpu.memory_space<hbm>> -> memref<1x1x80xi32, #tpu.memory_space<hbm>>
    %dma_start3A_13 = tpu.memref_squeeze %dma_start3A_12 : memref<1x1x80xi32, #tpu.memory_space<hbm>> -> memref<80xi32, #tpu.memory_space<hbm>>
    tpu.enqueue_dma source(%dma_start3A_13 : memref<80xi32, #tpu.memory_space<hbm>>) target(%arg7 : memref<80xi32, #tpu.memory_space<vmem>>) target_semaphore(%arg12 : memref<!tpu.dma_semaphore, #tpu.memory_space<semaphore_mem>>)
    %dma_start3A_14 = arith.constant 2 : i32
    %dma_start3A_15 = arith.constant 0 : i32
    %dma_start3A_16 = tpu.memref_slice %arg4[%add3A, %dma_start3A_14, %dma_start3A_15] : memref<32x4x80xi32, #tpu.memory_space<hbm>> -> memref<1x1x80xi32, #tpu.memory_space<hbm>>
    %dma_start3A_17 = tpu.memref_squeeze %dma_start3A_16 : memref<1x1x80xi32, #tpu.memory_space<hbm>> -> memref<80xi32, #tpu.memory_space<hbm>>
    %dma_start3A_18 = arith.constant 0 : i32
    %dma_start3A_19 = tpu.memref_slice %arg4[%add3A, %dma_start3A_14, %dma_start3A_18] : memref<32x4x80xi32, #tpu.memory_space<hbm>> -> memref<1x1x80xi32, #tpu.memory_space<hbm>>
    %dma_start3A_20 = tpu.memref_squeeze %dma_start3A_19 : memref<1x1x80xi32, #tpu.memory_space<hbm>> -> memref<80xi32, #tpu.memory_space<hbm>>
    tpu.enqueue_dma source(%dma_start3A_20 : memref<80xi32, #tpu.memory_space<hbm>>) target(%arg8 : memref<80xi32, #tpu.memory_space<vmem>>) target_semaphore(%arg12 : memref<!tpu.dma_semaphore, #tpu.memory_space<semaphore_mem>>)
    %dma_start3A_21 = arith.constant 3 : i32
    %dma_start3A_22 = arith.constant 0 : i32
    %dma_start3A_23 = tpu.memref_slice %arg4[%add3A, %dma_start3A_21, %dma_start3A_22] : memref<32x4x80xi32, #tpu.memory_space<hbm>> -> memref<1x1x80xi32, #tpu.memory_space<hbm>>
    %dma_start3A_24 = tpu.memref_squeeze %dma_start3A_23 : memref<1x1x80xi32, #tpu.memory_space<hbm>> -> memref<80xi32, #tpu.memory_space<hbm>>
    %dma_start3A_25 = arith.constant 0 : i32
    %dma_start3A_26 = tpu.memref_slice %arg4[%add3A, %dma_start3A_21, %dma_start3A_25] : memref<32x4x80xi32, #tpu.memory_space<hbm>> -> memref<1x1x80xi32, #tpu.memory_space<hbm>>
    %dma_start3A_27 = tpu.memref_squeeze %dma_start3A_26 : memref<1x1x80xi32, #tpu.memory_space<hbm>> -> memref<80xi32, #tpu.memory_space<hbm>>
    tpu.enqueue_dma source(%dma_start3A_27 : memref<80xi32, #tpu.memory_space<hbm>>) target(%arg9 : memref<80xi32, #tpu.memory_space<vmem>>) target_semaphore(%arg12 : memref<!tpu.dma_semaphore, #tpu.memory_space<semaphore_mem>>)
    "tpu.region"() ({
      %run_scoped3A = tpu.sem_alloc : memref<!tpu.dma_semaphore, #tpu.memory_space<semaphore_mem>>
      tpu.enqueue_dma source(%arg3 : memref<128xf32, #tpu.memory_space<hbm>>) target(%arg10 : memref<128xf32, #tpu.memory_space<vmem>>) target_semaphore(%run_scoped3A : memref<!tpu.dma_semaphore, #tpu.memory_space<semaphore_mem>>)
      tpu.wait_dma2 semaphore(%run_scoped3A : memref<!tpu.dma_semaphore, #tpu.memory_space<semaphore_mem>>) src(%arg3 : memref<128xf32, #tpu.memory_space<hbm>>) dst(%arg10 : memref<128xf32, #tpu.memory_space<vmem>>)
      tpu.yield
    }) : () -> ()
    %get3A = arith.constant 0 : index
    %get3A_28 = tpu.vector_load %arg10[%get3A] {strides = array<i32>} : memref<128xf32, #tpu.memory_space<vmem>>, vector<16xf32>,
    %get3A_29 = vector.shape_cast %get3A_28 : vector<16xf32> to vector<16xf32>
    %get3A_30 = arith.constant 16 : index
    %get3A_31 = tpu.vector_load %arg10[%get3A_30] {strides = array<i32>} : memref<128xf32, #tpu.memory_space<vmem>>, vector<16xf32>,
    %get3A_32 = vector.shape_cast %get3A_31 : vector<16xf32> to vector<16xf32>
    %get3A_33 = arith.constant 32 : index
    %get3A_34 = tpu.vector_load %arg10[%get3A_33] {strides = array<i32>} : memref<128xf32, #tpu.memory_space<vmem>>, vector<16xf32>,
    %get3A_35 = vector.shape_cast %get3A_34 : vector<16xf32> to vector<16xf32>
    %get3A_36 = arith.constant 48 : index
    %get3A_37 = tpu.vector_load %arg10[%get3A_36] {strides = array<i32>} : memref<128xf32, #tpu.memory_space<vmem>>, vector<16xf32>,
    %get3A_38 = vector.shape_cast %get3A_37 : vector<16xf32> to vector<16xf32>
    %get3A_39 = arith.constant 64 : index
    %get3A_40 = tpu.vector_load %arg10[%get3A_39] {strides = array<i32>} : memref<128xf32, #tpu.memory_space<vmem>>, vector<16xf32>,
    %get3A_41 = vector.shape_cast %get3A_40 : vector<16xf32> to vector<16xf32>
    %get3A_42 = arith.constant 80 : index
    %get3A_43 = tpu.vector_load %arg10[%get3A_42] {strides = array<i32>} : memref<128xf32, #tpu.memory_space<vmem>>, vector<16xf32>,
    %get3A_44 = vector.shape_cast %get3A_43 : vector<16xf32> to vector<16xf32>
    %get3A_45 = arith.constant 96 : index
    %get3A_46 = tpu.vector_load %arg10[%get3A_45] {strides = array<i32>} : memref<128xf32, #tpu.memory_space<vmem>>, vector<16xf32>,
    %get3A_47 = vector.shape_cast %get3A_46 : vector<16xf32> to vector<16xf32>
    %get3A_48 = arith.constant 112 : index
    %get3A_49 = tpu.vector_load %arg10[%get3A_48] {strides = array<i32>} : memref<128xf32, #tpu.memory_space<vmem>>, vector<16xf32>,
    %get3A_50 = vector.shape_cast %get3A_49 : vector<16xf32> to vector<16xf32>
    %scan3A = arith.constant 0 : i32
    %scan3A_51 = arith.constant 0 : i32
    %scan3A_52 = arith.constant 80 : i32
    %scan3A_53 = arith.addi %scan3A_51, %scan3A_52 : i32
    %scan3A_54 = arith.constant 1 : i32
    %scan3A_55 = scf.for %scan3A_108 = %scan3A_51 to %scan3A_53 step %scan3A_54 iter_args(%scan3A_109 = %scan3A) -> (i32)  : i32 {
      %swap3A = arith.index_cast %scan3A_108 : i32 to index
      %swap3A_110 = arith.constant 0 : index
      %swap3A_111 = tpu.vector_load %arg11[%swap3A, %swap3A_110] {strides = array<i32>} : memref<80x128xf32, #tpu.memory_space<vmem>>, vector<1x16xf32>,
      %swap3A_112 = vector.shape_cast %swap3A_111 : vector<1x16xf32> to vector<16xf32>
      %swap3A_113 = vector.shape_cast %get3A_29 : vector<16xf32> to vector<1x16xf32>
      tpu.vector_store %arg11[%swap3A, %swap3A_110], %swap3A_113 {strides = array<i32>} : memref<80x128xf32, #tpu.memory_space<vmem>>, vector<1x16xf32>,
      %swap3A_114 = arith.index_cast %scan3A_108 : i32 to index
      %swap3A_115 = arith.constant 16 : index
      %swap3A_116 = tpu.vector_load %arg11[%swap3A_114, %swap3A_115] {strides = array<i32>} : memref<80x128xf32, #tpu.memory_space<vmem>>, vector<1x16xf32>,
      %swap3A_117 = vector.shape_cast %swap3A_116 : vector<1x16xf32> to vector<16xf32>
      %swap3A_118 = vector.shape_cast %get3A_32 : vector<16xf32> to vector<1x16xf32>
      tpu.vector_store %arg11[%swap3A_114, %swap3A_115], %swap3A_118 {strides = array<i32>} : memref<80x128xf32, #tpu.memory_space<vmem>>, vector<1x16xf32>,
      %swap3A_119 = arith.index_cast %scan3A_108 : i32 to index
      %swap3A_120 = arith.constant 32 : index
      %swap3A_121 = tpu.vector_load %arg11[%swap3A_119, %swap3A_120] {strides = array<i32>} : memref<80x128xf32, #tpu.memory_space<vmem>>, vector<1x16xf32>,
      %swap3A_122 = vector.shape_cast %swap3A_121 : vector<1x16xf32> to vector<16xf32>
      %swap3A_123 = vector.shape_cast %get3A_35 : vector<16xf32> to vector<1x16xf32>
      tpu.vector_store %arg11[%swap3A_119, %swap3A_120], %swap3A_123 {strides = array<i32>} : memref<80x128xf32, #tpu.memory_space<vmem>>, vector<1x16xf32>,
      %swap3A_124 = arith.index_cast %scan3A_108 : i32 to index
      %swap3A_125 = arith.constant 48 : index
      %swap3A_126 = tpu.vector_load %arg11[%swap3A_124, %swap3A_125] {strides = array<i32>} : memref<80x128xf32, #tpu.memory_space<vmem>>, vector<1x16xf32>,
      %swap3A_127 = vector.shape_cast %swap3A_126 : vector<1x16xf32> to vector<16xf32>
      %swap3A_128 = vector.shape_cast %get3A_38 : vector<16xf32> to vector<1x16xf32>
      tpu.vector_store %arg11[%swap3A_124, %swap3A_125], %swap3A_128 {strides = array<i32>} : memref<80x128xf32, #tpu.memory_space<vmem>>, vector<1x16xf32>,
      %swap3A_129 = arith.index_cast %scan3A_108 : i32 to index
      %swap3A_130 = arith.constant 64 : index
      %swap3A_131 = tpu.vector_load %arg11[%swap3A_129, %swap3A_130] {strides = array<i32>} : memref<80x128xf32, #tpu.memory_space<vmem>>, vector<1x16xf32>,
      %swap3A_132 = vector.shape_cast %swap3A_131 : vector<1x16xf32> to vector<16xf32>
      %swap3A_133 = vector.shape_cast %get3A_41 : vector<16xf32> to vector<1x16xf32>
      tpu.vector_store %arg11[%swap3A_129, %swap3A_130], %swap3A_133 {strides = array<i32>} : memref<80x128xf32, #tpu.memory_space<vmem>>, vector<1x16xf32>,
      %swap3A_134 = arith.index_cast %scan3A_108 : i32 to index
      %swap3A_135 = arith.constant 80 : index
      %swap3A_136 = tpu.vector_load %arg11[%swap3A_134, %swap3A_135] {strides = array<i32>} : memref<80x128xf32, #tpu.memory_space<vmem>>, vector<1x16xf32>,
      %swap3A_137 = vector.shape_cast %swap3A_136 : vector<1x16xf32> to vector<16xf32>
      %swap3A_138 = vector.shape_cast %get3A_44 : vector<16xf32> to vector<1x16xf32>
      tpu.vector_store %arg11[%swap3A_134, %swap3A_135], %swap3A_138 {strides = array<i32>} : memref<80x128xf32, #tpu.memory_space<vmem>>, vector<1x16xf32>,
      %swap3A_139 = arith.index_cast %scan3A_108 : i32 to index
      %swap3A_140 = arith.constant 96 : index
      %swap3A_141 = tpu.vector_load %arg11[%swap3A_139, %swap3A_140] {strides = array<i32>} : memref<80x128xf32, #tpu.memory_space<vmem>>, vector<1x16xf32>,
      %swap3A_142 = vector.shape_cast %swap3A_141 : vector<1x16xf32> to vector<16xf32>
      %swap3A_143 = vector.shape_cast %get3A_47 : vector<16xf32> to vector<1x16xf32>
      tpu.vector_store %arg11[%swap3A_139, %swap3A_140], %swap3A_143 {strides = array<i32>} : memref<80x128xf32, #tpu.memory_space<vmem>>, vector<1x16xf32>,
      %swap3A_144 = arith.index_cast %scan3A_108 : i32 to index
      %swap3A_145 = arith.constant 112 : index
      %swap3A_146 = tpu.vector_load %arg11[%swap3A_144, %swap3A_145] {strides = array<i32>} : memref<80x128xf32, #tpu.memory_space<vmem>>, vector<1x16xf32>,
      %swap3A_147 = vector.shape_cast %swap3A_146 : vector<1x16xf32> to vector<16xf32>
      %swap3A_148 = vector.shape_cast %get3A_50 : vector<16xf32> to vector<1x16xf32>
      tpu.vector_store %arg11[%swap3A_144, %swap3A_145], %swap3A_148 {strides = array<i32>} : memref<80x128xf32, #tpu.memory_space<vmem>>, vector<1x16xf32>,
      %scan3A_149 = arith.constant 0 : i32
      scf.yield %scan3A_149 : i32
    }
    %scan3A_56 = arith.constant 80 : i32
    %dma_wait3A = arith.constant 0 : i32
    %dma_wait3A_57 = arith.constant 0 : i32
    %dma_wait3A_58 = tpu.memref_slice %arg4[%add3A, %dma_wait3A, %dma_wait3A_57] : memref<32x4x80xi32, #tpu.memory_space<hbm>> -> memref<1x1x80xi32, #tpu.memory_space<hbm>>
    %dma_wait3A_59 = tpu.memref_squeeze %dma_wait3A_58 : memref<1x1x80xi32, #tpu.memory_space<hbm>> -> memref<80xi32, #tpu.memory_space<hbm>>
    %dma_wait3A_60 = arith.constant 0 : i32
    %dma_wait3A_61 = tpu.memref_slice %arg4[%add3A, %dma_wait3A, %dma_wait3A_60] : memref<32x4x80xi32, #tpu.memory_space<hbm>> -> memref<1x1x80xi32, #tpu.memory_space<hbm>>
    %dma_wait3A_62 = tpu.memref_squeeze %dma_wait3A_61 : memref<1x1x80xi32, #tpu.memory_space<hbm>> -> memref<80xi32, #tpu.memory_space<hbm>>
    tpu.wait_dma2 semaphore(%arg12 : memref<!tpu.dma_semaphore, #tpu.memory_space<semaphore_mem>>) src(%dma_wait3A_62 : memref<80xi32, #tpu.memory_space<hbm>>) dst(%arg6 : memref<80xi32, #tpu.memory_space<vmem>>)
    %dma_wait3A_63 = arith.constant 1 : i32
    %dma_wait3A_64 = arith.constant 0 : i32
    %dma_wait3A_65 = tpu.memref_slice %arg4[%add3A, %dma_wait3A_63, %dma_wait3A_64] : memref<32x4x80xi32, #tpu.memory_space<hbm>> -> memref<1x1x80xi32, #tpu.memory_space<hbm>>
    %dma_wait3A_66 = tpu.memref_squeeze %dma_wait3A_65 : memref<1x1x80xi32, #tpu.memory_space<hbm>> -> memref<80xi32, #tpu.memory_space<hbm>>
    %dma_wait3A_67 = arith.constant 0 : i32
    %dma_wait3A_68 = tpu.memref_slice %arg4[%add3A, %dma_wait3A_63, %dma_wait3A_67] : memref<32x4x80xi32, #tpu.memory_space<hbm>> -> memref<1x1x80xi32, #tpu.memory_space<hbm>>
    %dma_wait3A_69 = tpu.memref_squeeze %dma_wait3A_68 : memref<1x1x80xi32, #tpu.memory_space<hbm>> -> memref<80xi32, #tpu.memory_space<hbm>>
    tpu.wait_dma2 semaphore(%arg12 : memref<!tpu.dma_semaphore, #tpu.memory_space<semaphore_mem>>) src(%dma_wait3A_69 : memref<80xi32, #tpu.memory_space<hbm>>) dst(%arg7 : memref<80xi32, #tpu.memory_space<vmem>>)
    %dma_wait3A_70 = arith.constant 2 : i32
    %dma_wait3A_71 = arith.constant 0 : i32
    %dma_wait3A_72 = tpu.memref_slice %arg4[%add3A, %dma_wait3A_70, %dma_wait3A_71] : memref<32x4x80xi32, #tpu.memory_space<hbm>> -> memref<1x1x80xi32, #tpu.memory_space<hbm>>
    %dma_wait3A_73 = tpu.memref_squeeze %dma_wait3A_72 : memref<1x1x80xi32, #tpu.memory_space<hbm>> -> memref<80xi32, #tpu.memory_space<hbm>>
    %dma_wait3A_74 = arith.constant 0 : i32
    %dma_wait3A_75 = tpu.memref_slice %arg4[%add3A, %dma_wait3A_70, %dma_wait3A_74] : memref<32x4x80xi32, #tpu.memory_space<hbm>> -> memref<1x1x80xi32, #tpu.memory_space<hbm>>
    %dma_wait3A_76 = tpu.memref_squeeze %dma_wait3A_75 : memref<1x1x80xi32, #tpu.memory_space<hbm>> -> memref<80xi32, #tpu.memory_space<hbm>>
    tpu.wait_dma2 semaphore(%arg12 : memref<!tpu.dma_semaphore, #tpu.memory_space<semaphore_mem>>) src(%dma_wait3A_76 : memref<80xi32, #tpu.memory_space<hbm>>) dst(%arg8 : memref<80xi32, #tpu.memory_space<vmem>>)
    %dma_wait3A_77 = arith.constant 3 : i32
    %dma_wait3A_78 = arith.constant 0 : i32
    %dma_wait3A_79 = tpu.memref_slice %arg4[%add3A, %dma_wait3A_77, %dma_wait3A_78] : memref<32x4x80xi32, #tpu.memory_space<hbm>> -> memref<1x1x80xi32, #tpu.memory_space<hbm>>
    %dma_wait3A_80 = tpu.memref_squeeze %dma_wait3A_79 : memref<1x1x80xi32, #tpu.memory_space<hbm>> -> memref<80xi32, #tpu.memory_space<hbm>>
    %dma_wait3A_81 = arith.constant 0 : i32
    %dma_wait3A_82 = tpu.memref_slice %arg4[%add3A, %dma_wait3A_77, %dma_wait3A_81] : memref<32x4x80xi32, #tpu.memory_space<hbm>> -> memref<1x1x80xi32, #tpu.memory_space<hbm>>
    %dma_wait3A_83 = tpu.memref_squeeze %dma_wait3A_82 : memref<1x1x80xi32, #tpu.memory_space<hbm>> -> memref<80xi32, #tpu.memory_space<hbm>>
    tpu.wait_dma2 semaphore(%arg12 : memref<!tpu.dma_semaphore, #tpu.memory_space<semaphore_mem>>) src(%dma_wait3A_83 : memref<80xi32, #tpu.memory_space<hbm>>) dst(%arg9 : memref<80xi32, #tpu.memory_space<vmem>>)
    %dma_start3A_84 = arith.constant 0 : i32
    %dma_start3A_85 = arith.constant 0 : i32
    %dma_start3A_86 = tpu.memref_slice %arg2[%dma_start3A_84, %dma_start3A_85] : memref<100000x128xf32, #tpu.memory_space<hbm>> -> memref<100000x128xf32, #tpu.memory_space<hbm>>
    tpu.enqueue_indirect_dma source(%arg11 : memref<80x128xf32, #tpu.memory_space<vmem>>) target(%dma_start3A_86 : memref<100000x128xf32, #tpu.memory_space<hbm>>) offsets(%arg6 : memref<80xi32, #tpu.memory_space<vmem>>) semaphore(%arg13 : memref<!tpu.dma_semaphore, #tpu.memory_space<semaphore_mem>>)
    %dma_start3A_87 = arith.constant 0 : i32
    %dma_start3A_88 = arith.constant 0 : i32
    %dma_start3A_89 = tpu.memref_slice %arg2[%dma_start3A_87, %dma_start3A_88] : memref<100000x128xf32, #tpu.memory_space<hbm>> -> memref<100000x128xf32, #tpu.memory_space<hbm>>
    tpu.enqueue_indirect_dma source(%arg11 : memref<80x128xf32, #tpu.memory_space<vmem>>) target(%dma_start3A_89 : memref<100000x128xf32, #tpu.memory_space<hbm>>) offsets(%arg7 : memref<80xi32, #tpu.memory_space<vmem>>) semaphore(%arg13 : memref<!tpu.dma_semaphore, #tpu.memory_space<semaphore_mem>>)
    %dma_start3A_90 = arith.constant 0 : i32
    %dma_start3A_91 = arith.constant 0 : i32
    %dma_start3A_92 = tpu.memref_slice %arg2[%dma_start3A_90, %dma_start3A_91] : memref<100000x128xf32, #tpu.memory_space<hbm>> -> memref<100000x128xf32, #tpu.memory_space<hbm>>
    tpu.enqueue_indirect_dma source(%arg11 : memref<80x128xf32, #tpu.memory_space<vmem>>) target(%dma_start3A_92 : memref<100000x128xf32, #tpu.memory_space<hbm>>) offsets(%arg8 : memref<80xi32, #tpu.memory_space<vmem>>) semaphore(%arg13 : memref<!tpu.dma_semaphore, #tpu.memory_space<semaphore_mem>>)
    %dma_start3A_93 = arith.constant 0 : i32
    %dma_start3A_94 = arith.constant 0 : i32
    %dma_start3A_95 = tpu.memref_slice %arg2[%dma_start3A_93, %dma_start3A_94] : memref<100000x128xf32, #tpu.memory_space<hbm>> -> memref<100000x128xf32, #tpu.memory_space<hbm>>
    tpu.enqueue_indirect_dma source(%arg11 : memref<80x128xf32, #tpu.memory_space<vmem>>) target(%dma_start3A_95 : memref<100000x128xf32, #tpu.memory_space<hbm>>) offsets(%arg9 : memref<80xi32, #tpu.memory_space<vmem>>) semaphore(%arg13 : memref<!tpu.dma_semaphore, #tpu.memory_space<semaphore_mem>>)
    %dma_wait3A_96 = arith.constant 0 : i32
    %dma_wait3A_97 = arith.constant 0 : i32
    %dma_wait3A_98 = tpu.memref_slice %arg2[%dma_wait3A_96, %dma_wait3A_97] : memref<100000x128xf32, #tpu.memory_space<hbm>> -> memref<100000x128xf32, #tpu.memory_space<hbm>>
    tpu.wait_indirect_dma semaphore(%arg13 : memref<!tpu.dma_semaphore, #tpu.memory_space<semaphore_mem>>) src(%arg11 : memref<80x128xf32, #tpu.memory_space<vmem>>) dst(%dma_wait3A_98 : memref<100000x128xf32, #tpu.memory_space<hbm>>)
    %dma_wait3A_99 = arith.constant 0 : i32
    %dma_wait3A_100 = arith.constant 0 : i32
    %dma_wait3A_101 = tpu.memref_slice %arg2[%dma_wait3A_99, %dma_wait3A_100] : memref<100000x128xf32, #tpu.memory_space<hbm>> -> memref<100000x128xf32, #tpu.memory_space<hbm>>
    tpu.wait_indirect_dma semaphore(%arg13 : memref<!tpu.dma_semaphore, #tpu.memory_space<semaphore_mem>>) src(%arg11 : memref<80x128xf32, #tpu.memory_space<vmem>>) dst(%dma_wait3A_101 : memref<100000x128xf32, #tpu.memory_space<hbm>>)
    %dma_wait3A_102 = arith.constant 0 : i32
    %dma_wait3A_103 = arith.constant 0 : i32
    %dma_wait3A_104 = tpu.memref_slice %arg2[%dma_wait3A_102, %dma_wait3A_103] : memref<100000x128xf32, #tpu.memory_space<hbm>> -> memref<100000x128xf32, #tpu.memory_space<hbm>>
    tpu.wait_indirect_dma semaphore(%arg13 : memref<!tpu.dma_semaphore, #tpu.memory_space<semaphore_mem>>) src(%arg11 : memref<80x128xf32, #tpu.memory_space<vmem>>) dst(%dma_wait3A_104 : memref<100000x128xf32, #tpu.memory_space<hbm>>)
    %dma_wait3A_105 = arith.constant 0 : i32
    %dma_wait3A_106 = arith.constant 0 : i32
    %dma_wait3A_107 = tpu.memref_slice %arg2[%dma_wait3A_105, %dma_wait3A_106] : memref<100000x128xf32, #tpu.memory_space<hbm>> -> memref<100000x128xf32, #tpu.memory_space<hbm>>
    tpu.wait_indirect_dma semaphore(%arg13 : memref<!tpu.dma_semaphore, #tpu.memory_space<semaphore_mem>>) src(%arg11 : memref<80x128xf32, #tpu.memory_space<vmem>>) dst(%dma_wait3A_107 : memref<100000x128xf32, #tpu.memory_space<hbm>>)
    return
  }
}

module attributes {stable_mosaic.version = 14 : i64} {
  func.func @_copy_sum_body(%arg0: i32, %arg1: memref<4000x128xf32, #tpu.memory_space<vmem>>, %arg2: memref<4000x128xf32, #tpu.memory_space<vmem>>, %arg3: memref<1x128xf32, #tpu.memory_space<vmem>>, %arg4: memref<8x128xf32, #tpu.memory_space<vmem>>) attributes {dimension_semantics = [#tpu.dimension_semantics<arbitrary>], iteration_bounds = array<i64: 25>, scalar_prefetch = 0 : i64, scratch_operands = 1 : i64, tpu.core_type = #tpu.core_type<tc>, window_params = [{transform_indices = @transform_0, window_bounds = array<i64: 4000, 128>}, {transform_indices = @transform_1, window_bounds = array<i64: 4000, 128>}, {pipeline_mode = #tpu.pipeline_mode<synchronous>, transform_indices = @transform_2, window_bounds = array<i64: 1, 128>}]} {
    %get3A = arith.constant 0 : index
    %get3A_0 = arith.constant 0 : index
    %get3A_1 = vector.load %arg1[%get3A, %get3A_0] : memref<4000x128xf32, #tpu.memory_space<vmem>>, vector<4000x128xf32>
    %swap3A = arith.constant 0 : index
    %swap3A_2 = arith.constant 0 : index
    %swap3A_3 = vector.load %arg2[%swap3A, %swap3A_2] : memref<4000x128xf32, #tpu.memory_space<vmem>>, vector<4000x128xf32>
    tpu.vector_store %arg2[%swap3A, %swap3A_2], %get3A_1 {strides = array<i32>} : memref<4000x128xf32, #tpu.memory_space<vmem>>, vector<4000x128xf32>,
    %eq3A = arith.constant 0 : i32
    %eq3A_4 = arith.cmpi eq, %arg0, %eq3A : i32
    %convert_element_type3A = arith.extui %eq3A_4 : i1 to i32
    %cond3A = arith.constant 0 : i32
    %cond3A_5 = arith.cmpi ne, %convert_element_type3A, %cond3A : i32
    scf.if %cond3A_5 {
      %broadcast_in_dim3A = arith.constant 0.000000e+00 : f32
      %broadcast_in_dim3A_18 = vector.broadcast %broadcast_in_dim3A : f32 to vector<8x128xf32>
      %swap3A_19 = arith.constant 0 : index
      %swap3A_20 = arith.constant 0 : index
      %swap3A_21 = vector.load %arg4[%swap3A_19, %swap3A_20] : memref<8x128xf32, #tpu.memory_space<vmem>>, vector<8x128xf32>
      tpu.vector_store %arg4[%swap3A_19, %swap3A_20], %broadcast_in_dim3A_18 {strides = array<i32>} : memref<8x128xf32, #tpu.memory_space<vmem>>, vector<8x128xf32>,
    } else {
    }
    %get3A_6 = arith.constant 0 : index
    %get3A_7 = arith.constant 0 : index
    %get3A_8 = vector.load %arg4[%get3A_6, %get3A_7] : memref<8x128xf32, #tpu.memory_space<vmem>>, vector<8x128xf32>
    %reshape3A = vector.shape_cast %get3A_1 : vector<4000x128xf32> to vector<500x8x128xf32>
    %reduce_sum3A = arith.constant dense<0.000000e+00> : vector<8x128xf32>
    %reduce_sum3A_9 = vector.multi_reduction <add>, %reshape3A, %reduce_sum3A [0] : vector<500x8x128xf32> to vector<8x128xf32>
    %add3A = arith.addf %get3A_8, %reduce_sum3A_9 : vector<8x128xf32>
    %swap3A_10 = arith.constant 0 : index
    %swap3A_11 = arith.constant 0 : index
    %swap3A_12 = vector.load %arg4[%swap3A_10, %swap3A_11] : memref<8x128xf32, #tpu.memory_space<vmem>>, vector<8x128xf32>
    tpu.vector_store %arg4[%swap3A_10, %swap3A_11], %add3A {strides = array<i32>} : memref<8x128xf32, #tpu.memory_space<vmem>>, vector<8x128xf32>,
    %eq3A_13 = arith.constant 24 : i32
    %eq3A_14 = arith.cmpi eq, %arg0, %eq3A_13 : i32
    %convert_element_type3A_15 = arith.extui %eq3A_14 : i1 to i32
    %cond3A_16 = arith.constant 0 : i32
    %cond3A_17 = arith.cmpi ne, %convert_element_type3A_15, %cond3A_16 : i32
    scf.if %cond3A_17 {
      %get3A_18 = arith.constant 0 : index
      %get3A_19 = arith.constant 0 : index
      %get3A_20 = vector.load %arg4[%get3A_18, %get3A_19] : memref<8x128xf32, #tpu.memory_space<vmem>>, vector<8x128xf32>
      %reduce_sum3A_21 = arith.constant dense<0.000000e+00> : vector<128xf32>
      %reduce_sum3A_22 = vector.multi_reduction <add>, %get3A_20, %reduce_sum3A_21 [0] : vector<8x128xf32> to vector<128xf32>
      %broadcast_in_dim3A = vector.shape_cast %reduce_sum3A_22 : vector<128xf32> to vector<1x128xf32>
      %mul3A = arith.constant 9.99999974E-6 : f32
      %mul3A_23 = vector.broadcast %mul3A : f32 to vector<1x128xf32>
      %mul3A_24 = arith.mulf %broadcast_in_dim3A, %mul3A_23 : vector<1x128xf32>
      %swap3A_25 = arith.constant 0 : index
      %swap3A_26 = arith.constant 0 : index
      %swap3A_27 = vector.load %arg3[%swap3A_25, %swap3A_26] : memref<1x128xf32, #tpu.memory_space<vmem>>, vector<1x128xf32>
      tpu.vector_store %arg3[%swap3A_25, %swap3A_26], %mul3A_24 {strides = array<i32>} : memref<1x128xf32, #tpu.memory_space<vmem>>, vector<1x128xf32>,
    } else {
    }
    return
  }
  func.func @transform_0(%arg0: i32) -> (i32, i32) {
    %c0_i32 = arith.constant 0 : i32
    %c0_i32_0 = arith.constant 0 : i32
    return %arg0, %c0_i32 : i32, i32
  }
  func.func @transform_1(%arg0: i32) -> (i32, i32) {
    %c0_i32 = arith.constant 0 : i32
    %c0_i32_0 = arith.constant 0 : i32
    return %arg0, %c0_i32 : i32, i32
  }
  func.func @transform_2(%arg0: i32) -> (i32, i32) {
    %c0_i32 = arith.constant 0 : i32
    %c0_i32_0 = arith.constant 0 : i32
    %c0_i32_1 = arith.constant 0 : i32
    return %c0_i32, %c0_i32_0 : i32, i32
  }
}

</mosaic_0001>

<sc_bundles>
// kernel: kernel.4.cloned.1.call-start
scs
__scs_entry_jumppad:
0x0: {  	(pc) =	sbr.rel $0x88, $3  }
0x1: {  	(tag) =	ssettag $0x0;
	lr =	simm.s32 $0x1  }
0x2: {  	[smem:$0x3F9F] =	sst lr;
	_ =	strace $0xD0000000  }
0x3: {  	_ = 	snop  }
0x4: {  	_ = 	snop  }
0x5: {  	_ = 	snop  }
0x6: {  	_ = 	snop  }
0x7: {  	_ = 	snop  }
__scs_overlays_trampoline_lowered:
0x8: {  	[smem:$0x3FAE] =	sst s0  }
0x9: {  	[smem:$0x3FAF] =	sst s1  }
0xa: {  	[smem:$0x3FB0] =	sst s2  }
0xb: {  	[smem:$0x3FB1] =	sst s3  }
0xc: {  	[smem:$0x3FB2] =	sst s4  }
0xd: {  	[smem:$0x3FB3] =	sst s5  }
0xe: {  	[smem:$0x3FB4] =	sst s6  }
0xf: {  	[smem:$0x3FB5] =	sst s7  }
0x10: {  	[smem:$0x3FB6] =	sst s8  }
0x11: {  	[smem:$0x3FB7] =	sst s9;
	s0 =	simm.s32 @!p0 $0x0  }
0x12: {  	s1 =	sld [smem:$0x3F9D];
	s0 =	simm.s32 @p0 $0x1  }
0x13: {  	[smem:$0x3FB8] =	sst s0;
	s0 =	simm.s32 @!p1 $0x0  }
0x14: {  	s2 =	sld [smem:$0x3F9C];
	s0 =	simm.s32 @p1 $0x1  }
0x15: {  	[smem:$0x3FB9] =	sst s0;
	s0 =	simm.s32 @!p2 $0x0  }
0x16: {  	s3 =	sld [smem:$0x3FDB];
	s0 =	simm.s32 @p2 $0x1  }
0x17: {  	s4 =	simm.s32 $0x1BF5;
	[smem:$0x3FBB] =	sst s0  }
0x18: {  	s0 =	sld [smem:$0x3F9E];
	_ =	swait.ge [sflag:s4], $0x0  }
0x19: {  	s7 =	sld [smem:$0x3F9F]  }
0x1a: {  	s8 =	sadd.s32 $0xFFFFE003, lr  }
0x1b: {  	s9 =	sadd.s32 $0xFFFFFEF7, lr;
	s5 =	simm.s32 $0xFFFFFFFF;
	p2 =	slt.u32 s8, $0xFFFFF086  }
0x1c: {  	p1 =	slt.u32 s9, $0xF7A;
	s5 =	simm.s32 @!p2 $0x0  }
0x1d: {  	s5 =	simm.s32 @p1 $0x1;
	p0 =	seq.s32 s7, s2  }
0x1e: {  	s7 =	smul.u32 @!p0 $0xF7A, s2;
	p2 =	seq.s32 @!p0 s5, $0x0  }
0x1f: {  	s9 =	smul.u32 $0xF7A, s1;
	s8 =	simm.s32 @!p0 $0x1BF5;
	p2 =	por !p2, p0  }
0x20: {  	[sflag:s8] =	ssyncset.s32 @!p0 $0xFFFFF086;
	s6 =	sadd.s32 @!p0 s3, s7;
	s7 =	simm.s32 @!p0 $0x108  }
0x21: {  	s3 =	sadd.s32 s3, s9;
	s6 =	sadd.s32 @!p0 $0x88, s6;
	s7 =	simm.s32 @p2 $0x1082  }
0x22: {  	[simem:s7], [sflag:s8] =	dma.local @!p0 [hbm:s6], $0xF7A  }
0x23: {  	s9 =	sor.u32 $0xD0000000, s2;
	s6 =	simm.s32 $0x108;
	_ =	swait.ge @!p0 [sflag:s8], $0x0  }
0x24: {  	s3 =	sadd.s32 $0x88, s3;
	s6 =	simm.s32 @!p1 $0x1082;
	[sflag:s4] =	ssyncset.s32 $0xFFFFF086  }
0x25: {  	[simem:s6], [sflag:s4] =	dma.local [hbm:s3], $0xF7A  }
0x26: {  	[smem:$0x3F9F] =	sst s1;
	(tag) =	ssettag s2;
	_ =	strace s9  }
0x27: {  	s1 =	sld [smem:$0x3FAF]  }
0x28: {  	s2 =	sld [smem:$0x3FB0]  }
0x29: {  	s4 =	sld [smem:$0x3FB2]  }
0x2a: {  	p0 =	seq.s32 s5, $0x0;
	s5 =	sld [smem:$0x3FB3]  }
0x2b: {  	s6 =	sld [smem:$0x3FB4]  }
0x2c: {  	s7 =	sld [smem:$0x3FB5]  }
0x2d: {  	s3 =	simm.s32 $0x108;
	s8 =	sld [smem:$0x3FB6]  }
0x2e: {  	s3 =	simm.s32 @!p0 $0x1082;
	s9 =	sld [smem:$0x3FB7]  }
0x2f: {  	lr =	sadd.s32 s0, s3;
	s0 =	sld [smem:$0x3FAE]  }
0x30: {  	s3 =	sld [smem:$0x3FB1]  }
0x31: {  	[smem:$0x3FBA] =	sst s10  }
0x32: {  	s10 =	sld [smem:$0x3FB8];
	_ =	sdelay $0x3  }
0x33: {  	p0 =	seq.s32 s10, $0x1;
	s10 =	sld [smem:$0x3FBA];
	_ =	sdelay $0x3  }
0x34: {  	[smem:$0x3FBA] =	sst s10  }
0x35: {  	s10 =	sld [smem:$0x3FB9];
	_ =	sdelay $0x3  }
0x36: {  	p1 =	seq.s32 s10, $0x1;
	s10 =	sld [smem:$0x3FBA];
	_ =	sdelay $0x3  }
0x37: {  	[smem:$0x3FBA] =	sst s10  }
0x38: {  	s10 =	sld [smem:$0x3FBB]  }
0x39: {  	_ = 	snop;
	(pc) =	sbr.ind lr, $3  }
0x3a: {  	_ = 	snop  }
0x3b: {  	_ = 	snop  }
0x3c: {  	p2 =	seq.s32 s10, $0x1;
	s10 =	sld [smem:$0x3FBA]  }
0x3d: {  	_ =	shalt  }
0x3e: {  	_ =	shalt  }
0x3f: {  	_ =	shalt  }
0x40: {  	_ =	shalt  }
0x41: {  	_ =	shalt  }
0x42: {  	_ =	shalt  }
0x43: {  	_ =	shalt  }
0x44: {  	_ =	shalt  }
0x45: {  	_ =	shalt  }
0x46: {  	_ =	shalt  }
0x47: {  	_ =	shalt  }
0x48: {  	_ =	shalt  }
0x49: {  	_ =	shalt  }
0x4a: {  	_ =	shalt  }
0x4b: {  	_ =	shalt  }
0x4c: {  	_ =	shalt  }
0x4d: {  	_ =	shalt  }
0x4e: {  	_ =	shalt  }
0x4f: {  	_ =	shalt  }
0x50: {  	_ =	shalt  }
0x51: {  	_ =	shalt  }
0x52: {  	_ =	shalt  }
0x53: {  	_ =	shalt  }
0x54: {  	_ =	shalt  }
0x55: {  	_ =	shalt  }
0x56: {  	_ =	shalt  }
0x57: {  	_ =	shalt  }
0x58: {  	_ =	shalt  }
0x59: {  	_ =	shalt  }
0x5a: {  	_ =	shalt  }
0x5b: {  	_ =	shalt  }
0x5c: {  	_ =	shalt  }
0x5d: {  	_ =	shalt  }
0x5e: {  	_ =	shalt  }
0x5f: {  	_ =	shalt  }
0x60: {  	_ =	shalt  }
0x61: {  	_ =	shalt  }
0x62: {  	_ =	shalt  }
0x63: {  	_ =	shalt  }
0x64: {  	_ =	shalt  }
0x65: {  	_ =	shalt  }
0x66: {  	_ =	shalt  }
0x67: {  	_ =	shalt  }
0x68: {  	_ =	shalt  }
0x69: {  	_ =	shalt  }
0x6a: {  	_ =	shalt  }
0x6b: {  	_ =	shalt  }
0x6c: {  	_ =	shalt  }
0x6d: {  	_ =	shalt  }
0x6e: {  	_ =	shalt  }
0x6f: {  	_ =	shalt  }
0x70: {  	_ =	shalt  }
0x71: {  	_ =	shalt  }
0x72: {  	_ =	shalt  }
0x73: {  	_ =	shalt  }
0x74: {  	_ =	shalt  }
0x75: {  	_ =	shalt  }
0x76: {  	_ =	shalt  }
0x77: {  	_ =	shalt  }
0x78: {  	_ =	shalt  }
0x79: {  	_ =	shalt  }
0x7a: {  	_ =	shalt  }
0x7b: {  	_ =	shalt  }
0x7c: {  	_ =	shalt  }
0x7d: {  	_ =	shalt  }
0x7e: {  	_ =	shalt  }
0x7f: {  	_ =	shalt  }
0x80: {  	_ =	shalt  }
0x81: {  	_ =	shalt  }
0x82: {  	_ =	shalt  }
0x83: {  	_ =	shalt  }
0x84: {  	_ =	shalt  }
0x85: {  	_ =	shalt  }
0x86: {  	_ =	shalt  }
0x87: {  	_ =	shalt  }
.Lfunc_end0:
.L_simem_size_0:
called_computation_lowered:
.L_overlay_start_0:
0x88: {  	s2 =	sld [smem:$0x3FD9]  }
0x89: {  	s3 =	sld [smem:$0x3FFE];
	_ =	sdelay $0x1  }
0x8a: {  	s1 =	srdreg.scid  }
0x8b: {  	s0 =	sand.u32 $0x1, s1  }
0x8c: {  	s17 =	sshll.u32 s0, $0xA;
	s2 =	sadd.s32 s3, s2  }
0x8d: {  	s2 =	sadd.s32 s2, s17  }
0x8e: {  	[smem:$0x3FC6] =	sst s2  }
0x8f: {  	_ = 	snop  }
0x90: {  	s2 =	sld [smem:$0x3FD0];
	(tm) =	ssettm $0x1  }
0x91: {  	s18 =	sld [smem:$0x3FFB];
	_ =	sdelay $0x3  }
0x92: {  	_ =	strace s18  }
0x93: {  	s3 =	sld [smem:$0x3FFC];
	_ =	sdelay $0x3  }
0x94: {  	_ =	strace s3  }
0x95: {  	s3 =	sld [smem:$0x3FFD];
	_ =	sdelay $0x3  }
0x96: {  	_ =	strace s3  }
0x97: {  	_ =	strace $0x8FFFFFFF  }
0x98: {  	s19 =	sld [smem:$0x3FDB];
	_ =	sdelay $0x1  }
0x99: {  	s4 =	simm.s32 $_scs_section_size  }
0x9a: {  	s5 =	simm.s32 $_size__tile_overlayer_lowered;
	s6 =	simm.s32 $_tile_overlayer_lowered  }
0x9b: {  	s22 =	simm.s32 $0x1BFF;
	s21 =	sshll.u32 s6, $0x1;
	s3 =	sadd.s32 s4, s19  }
0x9c: {  	s7 =	simm.s32 $0x0;
	s20 =	sshll.u32 s5, $0x1;
	s5 =	sadd.s32 s21, s3  }
0x9d: {  	[timem:s7], [sflag:s22] =	dma.local [hbm:s5], s20  }
0x9e: {  	_ =	swait.ge [sflag:s22], s20  }
0x9f: {  	s4 =	ssub.s32 $0x0, s20;
	[sflag:s22] =	ssyncset.done $0x0  }
0xa0: {  	[sflag:s22] =	ssyncadd.s32 s4;
	_ =	sdelay $0x1  }
0xa1: {  	s23 =	simm.s32 $0x1B8B  }
0xa2: {  	_ =	swait.ge [sflag:s23], $0x1  }
0xa3: {  	[sflag:s23] =	ssyncset.done $0x0  }
0xa4: {  	s25 =	simm.s32 $0x1B8E;
	s24 =	sld [smem:$0x3FFE];
	[sflag:s23] =	ssyncadd.s32 $0xFFFFFFFF  }
0xa5: {  	s26 =	simm.s32 $execute0_lowered;
	[smem:$0x3FD2] =	sst s25  }
0xa6: {  	s5 =	sshll.u32 s26, $0x1;
	_ =	strace $0x80000046;
	[dreg:$0x1] =	wrdreg $0xFFFFFFFF  }
0xa7: {  	s28 =	simm.s32 $_size_execute0_lowered;
	s3 =	sadd.s32 s3, s5;
	[dreg:$0x0] =	wrdreg $0x0  }
0xa8: {  	s5 =	sshll.u32 s28, $0x1;
	[dreg:$0x2] =	wrdreg s3  }
0xa9: {  	[dreg:$0x3] =	wrdreg s5  }
0xaa: {  	[dreg:$0x4] =	wrdreg $0xC0  }
0xab: {  	_ =	task [dreg:s7], $0x5FFFF  }
0xac: {  	[dreg:$0x1] =	wrdreg $0xFFFFFFFF  }
0xad: {  	[dreg:$0x0] =	wrdreg $0x60  }
0xae: {  	[dreg:$0x2] =	wrdreg s2  }
0xaf: {  	[dreg:$0x3] =	wrdreg s24  }
0xb0: {  	[dreg:$0x4] =	wrdreg $0x9  }
0xb1: {  	_ =	task.clear_ibuf [dreg:s7], $0x5FFFF;
	_ =	strace $0x90000046  }
0xb2: {  	s29 =	simm.s32 $0x9;
	_ =	strace $0x80000048  }
0xb3: {  	_ =	swait.ge [sflag:s29], $0x1  }
0xb4: {  	[sflag:s29] =	ssyncadd.s32 $0xFFFFFFFF  }
0xb5: {  	_ =	strace $0x90000048  }
0xb6: {  	_ =	sfence  }
0xb7: {  	s30 =	sld [smem:$0x0];
	_ =	sdelay $0x2  }
0xb8: {  	s31 =	sshll.u32 s1, $0xD;
	s1 =	sshrl.u32 s1, $0x2  }
0xb9: {  	s3 =	sand.u32 $0x4000, s31;
	s1 =	sadd.s32 s1, s30  }
0xba: {  	s0 =	sor.u32 s3, s0;
	s1 =	sshll.u32 s1, $0x11  }
0xbb: {  	s0 =	sor.u32 s1, s0  }
0xbc: {  	s0 =	sadd.s32 $0x8F2B, s0  }
0xbd: {  	[sflag:s0] =	ssyncadd.remote.s32 $0x1  }
0xbe: {  	_ =	sfence.sel $0xFFFF  }
0xbf: {  	[dreg:$0x0] =	wrdreg $0xFFFFFFFF;
	(pc) =	sbr.abs _section_cstart, $3  }
0xc0: {  	[dreg:$0x1] =	wrdreg $0xFFFFFFFF  }
0xc1: {  	_ =	task.clear_ibuf [dreg:s7], $0x2FFFF;
	_ =	strace $0x9FFFFFFF  }
0xc2: {  	(tm) =	ssettm $0x7FFFFFFF  }
0xc3: {  	_ =	shalt  }
tec
execute0_lowered:
.L_overlay_start_1:
0x0: {  	(tag) =	ssettag $0x1  }
0x1: {  	s1 =	rddreg [dreg:$0x0]  }
0x2: {  	s5 =	rddreg [dreg:$0x1]  }
0x3: {  	s0 =	rddreg [dreg:$0x2];
	s3 =	simm.s32 $0x0;
	s4 =	srdreg.scid  }
0x4: {  	s2 =	stileid.u32;
	s11 =	simm.s32 $0x100;
	s12 =	simm.s32 $0x180  }
0x5: {  	s13 =	simm.s32 $0x200;
	s14 =	simm.s32 $0x3;
	s15 =	simm.s32 $0x1  }
0x6: {  	s16 =	simm.s32 $0x50;
	s17 =	simm.s32 $0x280;
	s18 =	simm.s32 $0x2  }
0x7: {  	s19 =	simm.s32 $0x0;
	[smem:$0x7FF] =	sst s3;
	s4 =	sand.u32 $0x1, s4  }
0x8: {  	s6 =	sshll.u32 s2, $0x7;
	s7 =	sshll.u32 s4, $0x6;
	s8 =	ssub.s32 $0x2, s4  }
0x9: {  	_ =	strace $0x80000047;
	s6 =	sor.u32 s7, s6;
	s31 =	sshrl.u32 s8, $0x1  }
0xa: {  	s4 =	sadd.s32 $0x1000, s5;
	s9 =	sadd.s32 s6, s5;
	s10 =	ssub.s32 s8, s31  }
0xb: {  	s5 =	sadd.s32 $0x800, s9;
	s6 =	sadd.s32 $0x810, s9;
	s7 =	sadd.s32 $0x820, s9  }
0xc: {  	s8 =	sadd.s32 $0x830, s9;
	s9 =	smax.u32 s10, $0x1;
	s10 =	simm.s32 $0x80  }
.LBB2_1:
0xd: {  	[tilespmem:s3], [sflag:$0x1] =	stream.linear.gather [hbm4b:s5+s3], $0x80, $0x38;
	[tilespmem:$0x2A80] =	vst v63  }
0xe: {  	_ = 	snop  }
0xf: {  	[tilespmem:s10], [sflag:$0x1] =	stream.linear.gather [hbm4b:s6+s3], $0x80, $0x38;
	[tilespmem:$0x2A80] =	vst v63  }
0x10: {  	_ = 	snop  }
0x11: {  	[tilespmem:s11], [sflag:$0x1] =	stream.linear.gather [hbm4b:s7+s3], $0x80, $0x38;
	[tilespmem:$0x2A80] =	vst v63  }
0x12: {  	_ = 	snop  }
0x13: {  	[tilespmem:s12], [sflag:$0x1] =	stream.linear.gather [hbm4b:s8+s3], $0x80, $0x38;
	[tilespmem:$0x2A80] =	vst v63  }
0x14: {  	_ = 	snop  }
0x15: {  	[tilespmem:s13], [sflag:$0x3] =	stream.linear.gather [hbm4b:s4+s3], $0x80, $0x38;
	[tilespmem:$0x2A80] =	vst v63  }
0x16: {  	_ =	swait.ge [sflag:s14], $0x80  }
0x17: {  	[sflag:s14] =	ssyncset.done $0x0  }
0x18: {  	[sflag:s14] =	ssyncadd.s32 $0xFFFFFF80  }
0x19: {  	v0 =	vld [tilespmem:$0x200]  }
0x1a: {  	v1 =	vld [tilespmem:$0x210]  }
0x1b: {  	v2 =	vld [tilespmem:$0x220]  }
0x1c: {  	v7 =	vld [tilespmem:$0x270]  }
0x1d: {  	v3 =	vld [tilespmem:$0x230]  }
0x1e: {  	v4 =	vld [tilespmem:$0x240]  }
0x1f: {  	v5 =	vld [tilespmem:$0x250]  }
0x20: {  	s20 =	simm.s32 $0x0;
	s21 =	simm.s32 $0x200;
	v6 =	vld [tilespmem:$0x260]  }
.LBB2_2:
0x21: {  	p0 =	sne.s32 s21, $0x9E00;
	[tilespmem:s20+$0x2F0] =	vst v7  }
0x22: {  	[tilespmem:s20+$0x280] =	vst v0  }
0x23: {  	[tilespmem:s20+$0x290] =	vst v1  }
.Ltmp0:
0x24: {  	[tilespmem:s20+$0x2A0] =	vst v2;
	(pc) =	sbr.rel @p0 .LBB2_2-.Ltmp0, $4  }
0x25: {  	[tilespmem:s20+$0x2B0] =	vst v3  }
0x26: {  	[tilespmem:s20+$0x2C0] =	vst v4  }
0x27: {  	[tilespmem:s20+$0x2D0] =	vst v5  }
0x28: {  	[tilespmem:s20+$0x2E0] =	vst v6;
	s20 =	sshra.s32 s21, $0x2;
	s21 =	sadd.s32 $0x200, s21  }
0x29: {  	[tilespmem:s20+$0x2F0] =	vst v7  }
0x2a: {  	[tilespmem:s20+$0x280] =	vst v0  }
0x2b: {  	[tilespmem:s20+$0x290] =	vst v1  }
0x2c: {  	[tilespmem:s20+$0x2A0] =	vst v2  }
0x2d: {  	[tilespmem:s20+$0x2B0] =	vst v3  }
0x2e: {  	[tilespmem:s20+$0x2C0] =	vst v4  }
0x2f: {  	[tilespmem:s20+$0x2D0] =	vst v5  }
0x30: {  	[tilespmem:s20+$0x2E0] =	vst v6  }
0x31: {  	_ =	swait.ge [sflag:s15], $0x80  }
0x32: {  	[sflag:s15] =	ssyncset.done $0x0  }
0x33: {  	[sflag:s15] =	ssyncadd.s32 $0xFFFFFF80  }
0x34: {  	_ =	swait.ge [sflag:s15], $0x80  }
0x35: {  	[sflag:s15] =	ssyncset.done $0x0  }
0x36: {  	[sflag:s15] =	ssyncadd.s32 $0xFFFFFF80  }
0x37: {  	_ =	swait.ge [sflag:s15], $0x80  }
0x38: {  	[sflag:s15] =	ssyncset.done $0x0  }
0x39: {  	[sflag:s15] =	ssyncadd.s32 $0xFFFFFF80  }
0x3a: {  	_ =	swait.ge [sflag:s15], $0x80  }
0x3b: {  	[sflag:s15] =	ssyncset.done $0x0  }
0x3c: {  	[sflag:s15] =	ssyncadd.s32 $0xFFFFFF80  }
0x3d: {  	[hbm4b:s1+s16] =	stream.indirect.scatter [tilespmem:s17], [sflag:$0x2], $0x80, s3, s16, $0xb8;
	[tilespmem:$0x2A80] =	vst v63  }
0x3e: {  	_ = 	snop  }
0x3f: {  	[hbm4b:s1+s16] =	stream.indirect.scatter [tilespmem:s17], [sflag:$0x2], $0x80, s10, s16, $0xb8;
	[tilespmem:$0x2A80] =	vst v63  }
0x40: {  	_ = 	snop  }
0x41: {  	[hbm4b:s1+s16] =	stream.indirect.scatter [tilespmem:s17], [sflag:$0x2], $0x80, s11, s16, $0xb8;
	[tilespmem:$0x2A80] =	vst v63  }
0x42: {  	_ = 	snop  }
0x43: {  	[hbm4b:s1+s16] =	stream.indirect.scatter [tilespmem:s17], [sflag:$0x2], $0x80, s12, s16, $0xb8;
	[tilespmem:$0x2A80] =	vst v63  }
0x44: {  	_ =	swait.ge [sflag:s18], $0x2800  }
0x45: {  	[sflag:s18] =	ssyncset.done $0x0  }
0x46: {  	[sflag:s18] =	ssyncadd.s32 $0xFFFFD800  }
0x47: {  	_ =	swait.ge [sflag:s18], $0x2800  }
0x48: {  	[sflag:s18] =	ssyncset.done $0x0  }
0x49: {  	s19 =	sadd.s32 $0x1, s19;
	[sflag:s18] =	ssyncadd.s32 $0xFFFFD800  }
0x4a: {  	p0 =	sne.s32 s19, s9;
	_ =	swait.ge [sflag:s18], $0x2800  }
.Ltmp1:
0x4b: {  	[sflag:s18] =	ssyncset.done $0x0;
	(pc) =	sbr.rel @p0 .LBB2_1-.Ltmp1, $4  }
0x4c: {  	[sflag:s18] =	ssyncadd.s32 $0xFFFFD800  }
0x4d: {  	_ =	swait.ge [sflag:s18], $0x2800  }
0x4e: {  	[sflag:s18] =	ssyncset.done $0x0  }
0x4f: {  	[sflag:s18] =	ssyncadd.s32 $0xFFFFD800  }
0x50: {  	_ =	sfence.sel $0x180000  }
0x51: {  	[bflag:$0x0] =	sbarrier.arrive $0xFFFF  }
0x52: {  	p0 =	sne.s32 s2, $0x0;
	_ =	strace $0x90000047  }
0x53: {  	s0 =	sadd.s32 @!p0 $0x100000, s0;
	[bflag:$0x2] =	sbarrier.arrive $0xFFFF  }
0x54: {  	[sflag:s0] =	ssyncadd.tile.s32 @!p0 $0x1;
	_ =	shalt  }
.Lfunc_end2:
_tile_overlayer_lowered:
.L_overlay_start_2:
0x55: {  	(tag) =	ssettag $0x2  }
0x56: {  	s0 =	rddreg [dreg:$0x0];
	s2 =	stileid.u32  }
0x57: {  	s1 =	rddreg [dreg:$0x1];
	p0 =	sne.s32 s2, $0x0  }
0x58: {  	s3 =	rddreg [dreg:$0x2];
	[bflag:$0x3] =	sbarrier.arrive $0xFFFF;
	s2 =	simm.s32 @!p0 $0x1C03  }
0x59: {  	[timem:s3], [sflag:s2] =	dma.local @!p0 [hbm:s0], s1  }
0x5a: {  	s0 =	simm.s32 @!p0 $0x3  }
0x5b: {  	_ =	swait.ge @!p0 [sflag:s0], s1  }
0x5c: {  	s1 =	ssub.s32 @!p0 $0x0, s1;
	[sflag:s0] =	ssyncset.done @!p0 $0x0  }
0x5d: {  	[sflag:s0] =	ssyncadd.s32 @!p0 s1  }
0x5e: {  	[bflag:$0x3] =	sbarrier.arrive $0xFFFF  }
0x5f: {  	_ =	shalt  }

</sc_bundles>
